<compile_context>
chip_gen: v7x
topology: tpu7x:2x2x1
jax: 0.10.2.dev20260603
libtpu: 0.0.44.dev20260713+nightly
codegen_flags: <defaults>
</compile_context>

<pallas_src>
import functools

import jax
import jax.numpy as jnp
from jax import lax
from jax.experimental import pallas as pl
from jax.experimental.pallas import tpu as pltpu
from jax.experimental.pallas import tpu_sc as plsc

N_NODES = 10000
N_EDGES = 160000
D = 256
DH = D // 2
NC = 2
NS = 16
NW = NC * NS
CHUNK = 128
NCH = 81
EPT = NCH * CHUNK
E_PAD = NS * EPT
ACC_ROWS = N_NODES + 16
ROWS_MAIN = 624
ROWS_TAIL = N_NODES - ROWS_MAIN * NS


def _sc_aggregate_body(x_hbm, src_hbm, dst_hbm, out_hbm,
                       acc, src_a, src_b, src_c, dst_a, dst_b, dst_c,
                       rows_a, rows_b, rows_c,
                       gsem_a, gsem_b, gsem_c, ssem_a, ssem_b, ssem_c):
    c = lax.axis_index("c")
    s = lax.axis_index("s")

    base = s * ROWS_MAIN
    pltpu.sync_copy(x_hbm.at[c, pl.ds(base, ROWS_MAIN)],
                    acc.at[pl.ds(base, ROWS_MAIN)])

    @pl.when(s == NS - 1)
    def _init_tail():
        tb = NS * ROWS_MAIN
        pltpu.sync_copy(x_hbm.at[c, pl.ds(tb, ROWS_TAIL)],
                        acc.at[pl.ds(tb, ROWS_TAIL)])

    plsc.subcore_barrier()
    ebase = s * EPT

    def stage(j, src_ref, dst_ref):
        off = ebase + j * CHUNK
        pltpu.sync_copy(src_hbm.at[pl.ds(off, CHUNK)], src_ref)
        pltpu.sync_copy(dst_hbm.at[pl.ds(off, CHUNK)], dst_ref)

    def gather(src_ref, rows_ref, sem):
        return pltpu.async_copy(x_hbm.at[c].at[src_ref], rows_ref, sem)

    def step(jj, carry):
        j = 3 * jj
        stage(j, src_a, dst_a)
        ga = gather(src_a, rows_a, gsem_a)
        stage(j + 1, src_b, dst_b)
        gb = gather(src_b, rows_b, gsem_b)
        stage(j + 2, src_c, dst_c)
        gc = gather(src_c, rows_c, gsem_c)
        ga.wait()
        sa = pltpu.async_copy(rows_a, acc.at[dst_a], ssem_a, add=True)
        gb.wait()
        sb = pltpu.async_copy(rows_b, acc.at[dst_b], ssem_b, add=True)
        gc.wait()
        sc = pltpu.async_copy(rows_c, acc.at[dst_c], ssem_c, add=True)
        sa.wait()
        sb.wait()
        sc.wait()
        return carry

    lax.fori_loop(0, NCH // 3, step, 0)
    plsc.subcore_barrier()

    pltpu.sync_copy(acc.at[pl.ds(base, ROWS_MAIN)],
                    out_hbm.at[c, pl.ds(base, ROWS_MAIN)])

    @pl.when(s == NS - 1)
    def _out_tail():
        tb = NS * ROWS_MAIN
        pltpu.sync_copy(acc.at[pl.ds(tb, ROWS_TAIL)],
                        out_hbm.at[c, pl.ds(tb, ROWS_TAIL)])


@jax.jit
def _sc_aggregate(x_split, src_pad, dst_pad):
    mesh = plsc.VectorSubcoreMesh(core_axis_name="c", subcore_axis_name="s",
                                  num_cores=NC, num_subcores=NS)
    return pl.kernel(
        _sc_aggregate_body,
        out_type=jax.ShapeDtypeStruct((NC, N_NODES, DH), jnp.float32),
        mesh=mesh,
        scratch_types=[
            pltpu.VMEM_SHARED((ACC_ROWS, DH), jnp.float32),
            pltpu.VMEM((CHUNK,), jnp.int32),
            pltpu.VMEM((CHUNK,), jnp.int32),
            pltpu.VMEM((CHUNK,), jnp.int32),
            pltpu.VMEM((CHUNK,), jnp.int32),
            pltpu.VMEM((CHUNK,), jnp.int32),
            pltpu.VMEM((CHUNK,), jnp.int32),
            pltpu.VMEM((CHUNK, DH), jnp.float32),
            pltpu.VMEM((CHUNK, DH), jnp.float32),
            pltpu.VMEM((CHUNK, DH), jnp.float32),
            pltpu.SemaphoreType.DMA,
            pltpu.SemaphoreType.DMA,
            pltpu.SemaphoreType.DMA,
            pltpu.SemaphoreType.DMA,
            pltpu.SemaphoreType.DMA,
            pltpu.SemaphoreType.DMA,
        ],
    )(x_split, src_pad, dst_pad)


ROW_BLK = 1000


def _mlp_body_split_out(y_ref, wa_ref, ba_ref, wb_ref, bb_ref, out_ref):
    h = (jnp.dot(y_ref[0], wa_ref[0], preferred_element_type=jnp.float32)
         + jnp.dot(y_ref[1], wa_ref[1], preferred_element_type=jnp.float32)
         + ba_ref[...])
    h = jnp.maximum(h, 0.0)
    o = jnp.dot(h, wb_ref[...], preferred_element_type=jnp.float32) + bb_ref[...]
    o = jnp.maximum(o, 0.0)
    out_ref[0] = o[:, :DH]
    out_ref[1] = o[:, DH:]


def _mlp_body_flat_out(y_ref, wa_ref, ba_ref, wb_ref, bb_ref, out_ref):
    h = (jnp.dot(y_ref[0], wa_ref[0], preferred_element_type=jnp.float32)
         + jnp.dot(y_ref[1], wa_ref[1], preferred_element_type=jnp.float32)
         + ba_ref[...])
    h = jnp.maximum(h, 0.0)
    out_ref[...] = jnp.dot(h, wb_ref[...], preferred_element_type=jnp.float32) + bb_ref[...]


def _mlp(y_split, Wa, ba, Wb, bb, split_out):
    wa2 = Wa.reshape(NC, DH, D)
    grid = (N_NODES // ROW_BLK,)
    in_specs = [
        pl.BlockSpec((NC, ROW_BLK, DH), lambda i: (0, i, 0)),
        pl.BlockSpec((NC, DH, D), lambda i: (0, 0, 0)),
        pl.BlockSpec((D,), lambda i: (0,)),
        pl.BlockSpec((D, D), lambda i: (0, 0)),
        pl.BlockSpec((D,), lambda i: (0,)),
    ]
    if split_out:
        body = _mlp_body_split_out
        out_shape = jax.ShapeDtypeStruct((NC, N_NODES, DH), jnp.float32)
        out_spec = pl.BlockSpec((NC, ROW_BLK, DH), lambda i: (0, i, 0))
    else:
        body = _mlp_body_flat_out
        out_shape = jax.ShapeDtypeStruct((N_NODES, D), jnp.float32)
        out_spec = pl.BlockSpec((ROW_BLK, D), lambda i: (i, 0))
    return pl.pallas_call(
        body,
        grid=grid,
        in_specs=in_specs,
        out_specs=out_spec,
        out_shape=out_shape,
    )(y_split, wa2, ba, Wb, bb)


def kernel(x, edge_index, W1a, b1a, W1b, b1b, W2a, b2a, W2b, b2b):
    src = edge_index[0].astype(jnp.int32)
    dst = edge_index[1].astype(jnp.int32)
    pad = E_PAD - N_EDGES
    pad_src = jnp.arange(pad, dtype=jnp.int32) % N_NODES
    src_pad = jnp.concatenate([src, pad_src])
    pad_dst = N_NODES + (jnp.arange(pad, dtype=jnp.int32) % (ACC_ROWS - N_NODES))
    dst_pad = jnp.concatenate([dst, pad_dst])
    x_split = x.reshape(N_NODES, NC, DH).transpose(1, 0, 2)

    y1 = _sc_aggregate(x_split, src_pad, dst_pad)
    h1 = _mlp(y1, W1a, b1a, W1b, b1b, split_out=True)
    y2 = _sc_aggregate(h1, src_pad, dst_pad)
    out = _mlp(y2, W2a, b2a, W2b, b2b, split_out=False)
    return out

# --- scband reference (transcript-rebuilt; emitter-appended) ---
"""Pipeline reference for scband-gin-41850161332534 (READ-ONLY COPY).

The authoritative reference and input builder live on the scoring server;
editing this copy changes nothing except your own understanding.
"""

import jax, jax.numpy as jnp
import numpy as np

N_NODES = 10000
N_EDGES = 160000
D_IN = 256
D_HID = 256
D_OUT = 256


def setup_inputs(seed: int = 0) -> dict:
    key = jax.random.key(seed)
    ks = jax.random.split(key, 12)
    x = jax.random.normal(ks[0], (N_NODES, D_IN), dtype=jnp.float32)
    edge_index = jax.random.randint(ks[1], (2, N_EDGES), 0, N_NODES, dtype=jnp.int64)
    # MLP of conv1: Linear(D_IN, D_HID) -> ReLU -> Linear(D_HID, D_HID)
    s1 = 1.0 / np.sqrt(D_IN)
    W1a = jax.random.uniform(ks[2], (D_IN, D_HID), minval=-s1, maxval=s1, dtype=jnp.float32)
    b1a = jax.random.uniform(ks[3], (D_HID,), minval=-s1, maxval=s1, dtype=jnp.float32)
    s2 = 1.0 / np.sqrt(D_HID)
    W1b = jax.random.uniform(ks[4], (D_HID, D_HID), minval=-s2, maxval=s2, dtype=jnp.float32)
    b1b = jax.random.uniform(ks[5], (D_HID,), minval=-s2, maxval=s2, dtype=jnp.float32)
    # MLP of final conv: Linear(D_HID, D_HID) -> ReLU -> Linear(D_HID, D_OUT)
    W2a = jax.random.uniform(ks[6], (D_HID, D_HID), minval=-s2, maxval=s2, dtype=jnp.float32)
    b2a = jax.random.uniform(ks[7], (D_HID,), minval=-s2, maxval=s2, dtype=jnp.float32)
    W2b = jax.random.uniform(ks[8], (D_HID, D_OUT), minval=-s2, maxval=s2, dtype=jnp.float32)
    b2b = jax.random.uniform(ks[9], (D_OUT,), minval=-s2, maxval=s2, dtype=jnp.float32)
    return {"x": x, "edge_index": edge_index,
            "W1a": W1a, "b1a": b1a, "W1b": W1b, "b1b": b1b,
            "W2a": W2a, "b2a": b2a, "W2b": W2b, "b2b": b2b}


def _gin_conv(x, src, dst, Wa, ba, Wb, bb, eps=0.0):
    # sum-aggregate neighbor messages: out[dst] += x[src]
    msgs = jnp.take(x, src, axis=0)
    agg = jax.ops.segment_sum(msgs, dst, num_segments=x.shape[0])
    h = (1.0 + eps) * x + agg
    h = jnp.dot(h, Wa) + ba
    h = jax.nn.relu(h)
    h = jnp.dot(h, Wb) + bb
    return h


def reference(x, edge_index, W1a, b1a, W1b, b1b, W2a, b2a, W2b, b2b):
    src = edge_index[0]
    dst = edge_index[1]
    # conv1 + ReLU (dropout is identity in eval mode)
    h = _gin_conv(x, src, dst, W1a, b1a, W1b, b1b)
    h = jax.nn.relu(h)
    # final conv (no activation)
    out = _gin_conv(h, src, dst, W2a, b2a, W2b, b2b)
    return out

if __name__ == "__main__":
    import jax
    _d = setup_inputs()
    print(jax.jit(kernel)(*tuple(_d.values())))

</pallas_src>

<mosaic_0001>
#map = affine_map<(d0, d1) -> (0, 0, 0)>
#map1 = affine_map<(d0, d1) -> (0)>
module attributes {stable_mosaic.version = 14 : i64} {
  func.func @_sc_aggregate_body(%arg0: i32, %arg1: i32, %arg2: memref<2x10000x128xf32, #tpu.memory_space<hbm>>, %arg3: memref<165888xi32, #tpu.memory_space<hbm>>, %arg4: memref<165888xi32, #tpu.memory_space<hbm>>, %arg5: memref<2x10000x128xf32, #tpu.memory_space<hbm>>, %arg6: memref<10016x128xf32, #tpu.memory_space<vmem_shared>>, %arg7: memref<128xi32, #tpu.memory_space<vmem>>, %arg8: memref<128xi32, #tpu.memory_space<vmem>>, %arg9: memref<128xi32, #tpu.memory_space<vmem>>, %arg10: memref<128xi32, #tpu.memory_space<vmem>>, %arg11: memref<128xi32, #tpu.memory_space<vmem>>, %arg12: memref<128xi32, #tpu.memory_space<vmem>>, %arg13: memref<128x128xf32, #tpu.memory_space<vmem>>, %arg14: memref<128x128xf32, #tpu.memory_space<vmem>>, %arg15: memref<128x128xf32, #tpu.memory_space<vmem>>, %arg16: memref<!tpu.dma_semaphore, #tpu.memory_space<semaphore_mem>>, %arg17: memref<!tpu.dma_semaphore, #tpu.memory_space<semaphore_mem>>, %arg18: memref<!tpu.dma_semaphore, #tpu.memory_space<semaphore_mem>>, %arg19: memref<!tpu.dma_semaphore, #tpu.memory_space<semaphore_mem>>, %arg20: memref<!tpu.dma_semaphore, #tpu.memory_space<semaphore_mem>>, %arg21: memref<!tpu.dma_semaphore, #tpu.memory_space<semaphore_mem>>) attributes {dimension_semantics = [#tpu.dimension_semantics<core_parallel>, #tpu.dimension_semantics<subcore_parallel>], iteration_bounds = array<i64: 2, 16>, scalar_prefetch = 0 : i64, scratch_operands = 16 : i64, tpu.core_type = #tpu.core_type<sc_vector_subcore>, window_params = [{transform_indices = #map}, {transform_indices = #map1}, {transform_indices = #map1}, {transform_indices = #map}]} {
    %mul3A = arith.constant 624 : i32
    %mul3A_0 = arith.muli %arg1, %mul3A : i32
    "tpu.region"() ({
      %run_scoped3A = tpu.sem_alloc : memref<!tpu.dma_semaphore, #tpu.memory_space<semaphore_mem>>
      %dma_start3A = arith.constant 0 : i32
      %dma_start3A_16 = tpu.memref_slice %arg6[%mul3A_0, %dma_start3A] : memref<10016x128xf32, #tpu.memory_space<vmem_shared>> -> memref<624x128xf32, #tpu.memory_space<vmem_shared>>
      %dma_start3A_17 = arith.constant 0 : i32
      %dma_start3A_18 = tpu.memref_slice %arg2[%arg0, %mul3A_0, %dma_start3A_17] : memref<2x10000x128xf32, #tpu.memory_space<hbm>> -> memref<1x624x128xf32, #tpu.memory_space<hbm>>
      %dma_start3A_19 = tpu.memref_squeeze %dma_start3A_18 : memref<1x624x128xf32, #tpu.memory_space<hbm>> -> memref<624x128xf32, #tpu.memory_space<hbm>>
      tpu.enqueue_dma source(%dma_start3A_19 : memref<624x128xf32, #tpu.memory_space<hbm>>) target(%dma_start3A_16 : memref<624x128xf32, #tpu.memory_space<vmem_shared>>) target_semaphore(%run_scoped3A : memref<!tpu.dma_semaphore, #tpu.memory_space<semaphore_mem>>)
      %dma_wait3A = arith.constant 0 : i32
      %dma_wait3A_20 = tpu.memref_slice %arg6[%mul3A_0, %dma_wait3A] : memref<10016x128xf32, #tpu.memory_space<vmem_shared>> -> memref<624x128xf32, #tpu.memory_space<vmem_shared>>
      %dma_wait3A_21 = arith.constant 0 : i32
      %dma_wait3A_22 = tpu.memref_slice %arg2[%arg0, %mul3A_0, %dma_wait3A_21] : memref<2x10000x128xf32, #tpu.memory_space<hbm>> -> memref<1x624x128xf32, #tpu.memory_space<hbm>>
      %dma_wait3A_23 = tpu.memref_squeeze %dma_wait3A_22 : memref<1x624x128xf32, #tpu.memory_space<hbm>> -> memref<624x128xf32, #tpu.memory_space<hbm>>
      tpu.wait_dma2 semaphore(%run_scoped3A : memref<!tpu.dma_semaphore, #tpu.memory_space<semaphore_mem>>) src(%dma_wait3A_23 : memref<624x128xf32, #tpu.memory_space<hbm>>) dst(%dma_wait3A_20 : memref<624x128xf32, #tpu.memory_space<vmem_shared>>)
      tpu.yield
    }) : () -> ()
    %eq3A = arith.constant 15 : i32
    %eq3A_1 = arith.cmpi eq, %arg1, %eq3A : i32
    %convert_element_type3A = arith.extui %eq3A_1 : i1 to i32
    %cond3A = arith.constant 0 : i32
    %cond3A_2 = arith.cmpi ne, %convert_element_type3A, %cond3A : i32
    scf.if %cond3A_2 {
      "tpu.region"() ({
        %run_scoped3A = tpu.sem_alloc : memref<!tpu.dma_semaphore, #tpu.memory_space<semaphore_mem>>
        %dma_start3A = arith.constant 9984 : i32
        %dma_start3A_16 = arith.constant 0 : i32
        %dma_start3A_17 = tpu.memref_slice %arg6[%dma_start3A, %dma_start3A_16] : memref<10016x128xf32, #tpu.memory_space<vmem_shared>> -> memref<16x128xf32, #tpu.memory_space<vmem_shared>>
        %dma_start3A_18 = arith.constant 9984 : i32
        %dma_start3A_19 = arith.constant 0 : i32
        %dma_start3A_20 = tpu.memref_slice %arg2[%arg0, %dma_start3A_18, %dma_start3A_19] : memref<2x10000x128xf32, #tpu.memory_space<hbm>> -> memref<1x16x128xf32, #tpu.memory_space<hbm>>
        %dma_start3A_21 = tpu.memref_squeeze %dma_start3A_20 : memref<1x16x128xf32, #tpu.memory_space<hbm>> -> memref<16x128xf32, #tpu.memory_space<hbm>>
        tpu.enqueue_dma source(%dma_start3A_21 : memref<16x128xf32, #tpu.memory_space<hbm>>) target(%dma_start3A_17 : memref<16x128xf32, #tpu.memory_space<vmem_shared>>) target_semaphore(%run_scoped3A : memref<!tpu.dma_semaphore, #tpu.memory_space<semaphore_mem>>)
        %dma_wait3A = arith.constant 9984 : i32
        %dma_wait3A_22 = arith.constant 0 : i32
        %dma_wait3A_23 = tpu.memref_slice %arg6[%dma_wait3A, %dma_wait3A_22] : memref<10016x128xf32, #tpu.memory_space<vmem_shared>> -> memref<16x128xf32, #tpu.memory_space<vmem_shared>>
        %dma_wait3A_24 = arith.constant 9984 : i32
        %dma_wait3A_25 = arith.constant 0 : i32
        %dma_wait3A_26 = tpu.memref_slice %arg2[%arg0, %dma_wait3A_24, %dma_wait3A_25] : memref<2x10000x128xf32, #tpu.memory_space<hbm>> -> memref<1x16x128xf32, #tpu.memory_space<hbm>>
        %dma_wait3A_27 = tpu.memref_squeeze %dma_wait3A_26 : memref<1x16x128xf32, #tpu.memory_space<hbm>> -> memref<16x128xf32, #tpu.memory_space<hbm>>
        tpu.wait_dma2 semaphore(%run_scoped3A : memref<!tpu.dma_semaphore, #tpu.memory_space<semaphore_mem>>) src(%dma_wait3A_27 : memref<16x128xf32, #tpu.memory_space<hbm>>) dst(%dma_wait3A_23 : memref<16x128xf32, #tpu.memory_space<vmem_shared>>)
        tpu.yield
      }) : () -> ()
    } else {
    }
    %barrier3A = arith.constant 0 : index
    tpu.barrier barrier_id(%barrier3A)
    %mul3A_3 = arith.constant 10368 : i32
    %mul3A_4 = arith.muli %arg1, %mul3A_3 : i32
    %scan3A = arith.constant 0 : i32
    %scan3A_5 = arith.constant 0 : i32
    %scan3A_6 = arith.constant 27 : i32
    %scan3A_7 = arith.addi %scan3A_5, %scan3A_6 : i32
    %scan3A_8 = arith.constant 1 : i32
    scf.for %scan3A_16 = %scan3A_5 to %scan3A_7 step %scan3A_8  : i32 {
      %mul3A_17 = arith.constant 3 : i32
      %mul3A_18 = arith.muli %mul3A_17, %scan3A_16 : i32
      %mul3A_19 = arith.constant 128 : i32
      %mul3A_20 = arith.muli %mul3A_18, %mul3A_19 : i32
      %add3A = arith.addi %mul3A_4, %mul3A_20 : i32
      "tpu.region"() ({
        %run_scoped3A = tpu.sem_alloc : memref<!tpu.dma_semaphore, #tpu.memory_space<semaphore_mem>>
        %dma_start3A_89 = tpu.memref_slice %arg3[%add3A] : memref<165888xi32, #tpu.memory_space<hbm>> -> memref<128xi32, #tpu.memory_space<hbm>>
        %dma_start3A_90 = tpu.memref_slice %arg3[%add3A] : memref<165888xi32, #tpu.memory_space<hbm>> -> memref<128xi32, #tpu.memory_space<hbm>>
        tpu.enqueue_dma source(%dma_start3A_90 : memref<128xi32, #tpu.memory_space<hbm>>) target(%arg7 : memref<128xi32, #tpu.memory_space<vmem>>) target_semaphore(%run_scoped3A : memref<!tpu.dma_semaphore, #tpu.memory_space<semaphore_mem>>)
        %dma_wait3A_91 = tpu.memref_slice %arg3[%add3A] : memref<165888xi32, #tpu.memory_space<hbm>> -> memref<128xi32, #tpu.memory_space<hbm>>
        %dma_wait3A_92 = tpu.memref_slice %arg3[%add3A] : memref<165888xi32, #tpu.memory_space<hbm>> -> memref<128xi32, #tpu.memory_space<hbm>>
        tpu.wait_dma2 semaphore(%run_scoped3A : memref<!tpu.dma_semaphore, #tpu.memory_space<semaphore_mem>>) src(%dma_wait3A_92 : memref<128xi32, #tpu.memory_space<hbm>>) dst(%arg7 : memref<128xi32, #tpu.memory_space<vmem>>)
        tpu.yield
      }) : () -> ()
      "tpu.region"() ({
        %run_scoped3A = tpu.sem_alloc : memref<!tpu.dma_semaphore, #tpu.memory_space<semaphore_mem>>
        %dma_start3A_89 = tpu.memref_slice %arg4[%add3A] : memref<165888xi32, #tpu.memory_space<hbm>> -> memref<128xi32, #tpu.memory_space<hbm>>
        %dma_start3A_90 = tpu.memref_slice %arg4[%add3A] : memref<165888xi32, #tpu.memory_space<hbm>> -> memref<128xi32, #tpu.memory_space<hbm>>
        tpu.enqueue_dma source(%dma_start3A_90 : memref<128xi32, #tpu.memory_space<hbm>>) target(%arg10 : memref<128xi32, #tpu.memory_space<vmem>>) target_semaphore(%run_scoped3A : memref<!tpu.dma_semaphore, #tpu.memory_space<semaphore_mem>>)
        %dma_wait3A_91 = tpu.memref_slice %arg4[%add3A] : memref<165888xi32, #tpu.memory_space<hbm>> -> memref<128xi32, #tpu.memory_space<hbm>>
        %dma_wait3A_92 = tpu.memref_slice %arg4[%add3A] : memref<165888xi32, #tpu.memory_space<hbm>> -> memref<128xi32, #tpu.memory_space<hbm>>
        tpu.wait_dma2 semaphore(%run_scoped3A : memref<!tpu.dma_semaphore, #tpu.memory_space<semaphore_mem>>) src(%dma_wait3A_92 : memref<128xi32, #tpu.memory_space<hbm>>) dst(%arg10 : memref<128xi32, #tpu.memory_space<vmem>>)
        tpu.yield
      }) : () -> ()
      %dma_start3A = arith.constant 0 : i32
      %dma_start3A_21 = arith.constant 0 : i32
      %dma_start3A_22 = tpu.memref_slice %arg2[%arg0, %dma_start3A, %dma_start3A_21] : memref<2x10000x128xf32, #tpu.memory_space<hbm>> -> memref<1x10000x128xf32, #tpu.memory_space<hbm>>
      %dma_start3A_23 = tpu.memref_squeeze %dma_start3A_22 : memref<1x10000x128xf32, #tpu.memory_space<hbm>> -> memref<10000x128xf32, #tpu.memory_space<hbm>>
      %dma_start3A_24 = arith.constant 0 : i32
      %dma_start3A_25 = arith.constant 0 : i32
      %dma_start3A_26 = tpu.memref_slice %dma_start3A_23[%dma_start3A_24, %dma_start3A_25] : memref<10000x128xf32, #tpu.memory_space<hbm>> -> memref<10000x128xf32, #tpu.memory_space<hbm>>
      tpu.enqueue_indirect_dma source(%dma_start3A_26 : memref<10000x128xf32, #tpu.memory_space<hbm>>) target(%arg13 : memref<128x128xf32, #tpu.memory_space<vmem>>) offsets(%arg7 : memref<128xi32, #tpu.memory_space<vmem>>) semaphore(%arg16 : memref<!tpu.dma_semaphore, #tpu.memory_space<semaphore_mem>>)
      %add3A_27 = arith.constant 1 : i32
      %add3A_28 = arith.addi %mul3A_18, %add3A_27 : i32
      %mul3A_29 = arith.constant 128 : i32
      %mul3A_30 = arith.muli %add3A_28, %mul3A_29 : i32
      %add3A_31 = arith.addi %mul3A_4, %mul3A_30 : i32
      "tpu.region"() ({
        %run_scoped3A = tpu.sem_alloc : memref<!tpu.dma_semaphore, #tpu.memory_space<semaphore_mem>>
        %dma_start3A_89 = tpu.memref_slice %arg3[%add3A_31] : memref<165888xi32, #tpu.memory_space<hbm>> -> memref<128xi32, #tpu.memory_space<hbm>>
        %dma_start3A_90 = tpu.memref_slice %arg3[%add3A_31] : memref<165888xi32, #tpu.memory_space<hbm>> -> memref<128xi32, #tpu.memory_space<hbm>>
        tpu.enqueue_dma source(%dma_start3A_90 : memref<128xi32, #tpu.memory_space<hbm>>) target(%arg8 : memref<128xi32, #tpu.memory_space<vmem>>) target_semaphore(%run_scoped3A : memref<!tpu.dma_semaphore, #tpu.memory_space<semaphore_mem>>)
        %dma_wait3A_91 = tpu.memref_slice %arg3[%add3A_31] : memref<165888xi32, #tpu.memory_space<hbm>> -> memref<128xi32, #tpu.memory_space<hbm>>
        %dma_wait3A_92 = tpu.memref_slice %arg3[%add3A_31] : memref<165888xi32, #tpu.memory_space<hbm>> -> memref<128xi32, #tpu.memory_space<hbm>>
        tpu.wait_dma2 semaphore(%run_scoped3A : memref<!tpu.dma_semaphore, #tpu.memory_space<semaphore_mem>>) src(%dma_wait3A_92 : memref<128xi32, #tpu.memory_space<hbm>>) dst(%arg8 : memref<128xi32, #tpu.memory_space<vmem>>)
        tpu.yield
      }) : () -> ()
      "tpu.region"() ({
        %run_scoped3A = tpu.sem_alloc : memref<!tpu.dma_semaphore, #tpu.memory_space<semaphore_mem>>
        %dma_start3A_89 = tpu.memref_slice %arg4[%add3A_31] : memref<165888xi32, #tpu.memory_space<hbm>> -> memref<128xi32, #tpu.memory_space<hbm>>
        %dma_start3A_90 = tpu.memref_slice %arg4[%add3A_31] : memref<165888xi32, #tpu.memory_space<hbm>> -> memref<128xi32, #tpu.memory_space<hbm>>
        tpu.enqueue_dma source(%dma_start3A_90 : memref<128xi32, #tpu.memory_space<hbm>>) target(%arg11 : memref<128xi32, #tpu.memory_space<vmem>>) target_semaphore(%run_scoped3A : memref<!tpu.dma_semaphore, #tpu.memory_space<semaphore_mem>>)
        %dma_wait3A_91 = tpu.memref_slice %arg4[%add3A_31] : memref<165888xi32, #tpu.memory_space<hbm>> -> memref<128xi32, #tpu.memory_space<hbm>>
        %dma_wait3A_92 = tpu.memref_slice %arg4[%add3A_31] : memref<165888xi32, #tpu.memory_space<hbm>> -> memref<128xi32, #tpu.memory_space<hbm>>
        tpu.wait_dma2 semaphore(%run_scoped3A : memref<!tpu.dma_semaphore, #tpu.memory_space<semaphore_mem>>) src(%dma_wait3A_92 : memref<128xi32, #tpu.memory_space<hbm>>) dst(%arg11 : memref<128xi32, #tpu.memory_space<vmem>>)
        tpu.yield
      }) : () -> ()
      %dma_start3A_32 = arith.constant 0 : i32
      %dma_start3A_33 = arith.constant 0 : i32
      %dma_start3A_34 = tpu.memref_slice %arg2[%arg0, %dma_start3A_32, %dma_start3A_33] : memref<2x10000x128xf32, #tpu.memory_space<hbm>> -> memref<1x10000x128xf32, #tpu.memory_space<hbm>>
      %dma_start3A_35 = tpu.memref_squeeze %dma_start3A_34 : memref<1x10000x128xf32, #tpu.memory_space<hbm>> -> memref<10000x128xf32, #tpu.memory_space<hbm>>
      %dma_start3A_36 = arith.constant 0 : i32
      %dma_start3A_37 = arith.constant 0 : i32
      %dma_start3A_38 = tpu.memref_slice %dma_start3A_35[%dma_start3A_36, %dma_start3A_37] : memref<10000x128xf32, #tpu.memory_space<hbm>> -> memref<10000x128xf32, #tpu.memory_space<hbm>>
      tpu.enqueue_indirect_dma source(%dma_start3A_38 : memref<10000x128xf32, #tpu.memory_space<hbm>>) target(%arg14 : memref<128x128xf32, #tpu.memory_space<vmem>>) offsets(%arg8 : memref<128xi32, #tpu.memory_space<vmem>>) semaphore(%arg17 : memref<!tpu.dma_semaphore, #tpu.memory_space<semaphore_mem>>)
      %add3A_39 = arith.constant 2 : i32
      %add3A_40 = arith.addi %mul3A_18, %add3A_39 : i32
      %mul3A_41 = arith.constant 128 : i32
      %mul3A_42 = arith.muli %add3A_40, %mul3A_41 : i32
      %add3A_43 = arith.addi %mul3A_4, %mul3A_42 : i32
      "tpu.region"() ({
        %run_scoped3A = tpu.sem_alloc : memref<!tpu.dma_semaphore, #tpu.memory_space<semaphore_mem>>
        %dma_start3A_89 = tpu.memref_slice %arg3[%add3A_43] : memref<165888xi32, #tpu.memory_space<hbm>> -> memref<128xi32, #tpu.memory_space<hbm>>
        %dma_start3A_90 = tpu.memref_slice %arg3[%add3A_43] : memref<165888xi32, #tpu.memory_space<hbm>> -> memref<128xi32, #tpu.memory_space<hbm>>
        tpu.enqueue_dma source(%dma_start3A_90 : memref<128xi32, #tpu.memory_space<hbm>>) target(%arg9 : memref<128xi32, #tpu.memory_space<vmem>>) target_semaphore(%run_scoped3A : memref<!tpu.dma_semaphore, #tpu.memory_space<semaphore_mem>>)
        %dma_wait3A_91 = tpu.memref_slice %arg3[%add3A_43] : memref<165888xi32, #tpu.memory_space<hbm>> -> memref<128xi32, #tpu.memory_space<hbm>>
        %dma_wait3A_92 = tpu.memref_slice %arg3[%add3A_43] : memref<165888xi32, #tpu.memory_space<hbm>> -> memref<128xi32, #tpu.memory_space<hbm>>
        tpu.wait_dma2 semaphore(%run_scoped3A : memref<!tpu.dma_semaphore, #tpu.memory_space<semaphore_mem>>) src(%dma_wait3A_92 : memref<128xi32, #tpu.memory_space<hbm>>) dst(%arg9 : memref<128xi32, #tpu.memory_space<vmem>>)
        tpu.yield
      }) : () -> ()
      "tpu.region"() ({
        %run_scoped3A = tpu.sem_alloc : memref<!tpu.dma_semaphore, #tpu.memory_space<semaphore_mem>>
        %dma_start3A_89 = tpu.memref_slice %arg4[%add3A_43] : memref<165888xi32, #tpu.memory_space<hbm>> -> memref<128xi32, #tpu.memory_space<hbm>>
        %dma_start3A_90 = tpu.memref_slice %arg4[%add3A_43] : memref<165888xi32, #tpu.memory_space<hbm>> -> memref<128xi32, #tpu.memory_space<hbm>>
        tpu.enqueue_dma source(%dma_start3A_90 : memref<128xi32, #tpu.memory_space<hbm>>) target(%arg12 : memref<128xi32, #tpu.memory_space<vmem>>) target_semaphore(%run_scoped3A : memref<!tpu.dma_semaphore, #tpu.memory_space<semaphore_mem>>)
        %dma_wait3A_91 = tpu.memref_slice %arg4[%add3A_43] : memref<165888xi32, #tpu.memory_space<hbm>> -> memref<128xi32, #tpu.memory_space<hbm>>
        %dma_wait3A_92 = tpu.memref_slice %arg4[%add3A_43] : memref<165888xi32, #tpu.memory_space<hbm>> -> memref<128xi32, #tpu.memory_space<hbm>>
        tpu.wait_dma2 semaphore(%run_scoped3A : memref<!tpu.dma_semaphore, #tpu.memory_space<semaphore_mem>>) src(%dma_wait3A_92 : memref<128xi32, #tpu.memory_space<hbm>>) dst(%arg12 : memref<128xi32, #tpu.memory_space<vmem>>)
        tpu.yield
      }) : () -> ()
      %dma_start3A_44 = arith.constant 0 : i32
      %dma_start3A_45 = arith.constant 0 : i32
      %dma_start3A_46 = tpu.memref_slice %arg2[%arg0, %dma_start3A_44, %dma_start3A_45] : memref<2x10000x128xf32, #tpu.memory_space<hbm>> -> memref<1x10000x128xf32, #tpu.memory_space<hbm>>
      %dma_start3A_47 = tpu.memref_squeeze %dma_start3A_46 : memref<1x10000x128xf32, #tpu.memory_space<hbm>> -> memref<10000x128xf32, #tpu.memory_space<hbm>>
      %dma_start3A_48 = arith.constant 0 : i32
      %dma_start3A_49 = arith.constant 0 : i32
      %dma_start3A_50 = tpu.memref_slice %dma_start3A_47[%dma_start3A_48, %dma_start3A_49] : memref<10000x128xf32, #tpu.memory_space<hbm>> -> memref<10000x128xf32, #tpu.memory_space<hbm>>
      tpu.enqueue_indirect_dma source(%dma_start3A_50 : memref<10000x128xf32, #tpu.memory_space<hbm>>) target(%arg15 : memref<128x128xf32, #tpu.memory_space<vmem>>) offsets(%arg9 : memref<128xi32, #tpu.memory_space<vmem>>) semaphore(%arg18 : memref<!tpu.dma_semaphore, #tpu.memory_space<semaphore_mem>>)
      %dma_wait3A = arith.constant 0 : i32
      %dma_wait3A_51 = arith.constant 0 : i32
      %dma_wait3A_52 = tpu.memref_slice %arg2[%arg0, %dma_wait3A, %dma_wait3A_51] : memref<2x10000x128xf32, #tpu.memory_space<hbm>> -> memref<1x10000x128xf32, #tpu.memory_space<hbm>>
      %dma_wait3A_53 = tpu.memref_squeeze %dma_wait3A_52 : memref<1x10000x128xf32, #tpu.memory_space<hbm>> -> memref<10000x128xf32, #tpu.memory_space<hbm>>
      %dma_wait3A_54 = arith.constant 0 : i32
      %dma_wait3A_55 = arith.constant 0 : i32
      %dma_wait3A_56 = tpu.memref_slice %dma_wait3A_53[%dma_wait3A_54, %dma_wait3A_55] : memref<10000x128xf32, #tpu.memory_space<hbm>> -> memref<10000x128xf32, #tpu.memory_space<hbm>>
      tpu.wait_indirect_dma semaphore(%arg16 : memref<!tpu.dma_semaphore, #tpu.memory_space<semaphore_mem>>) src(%dma_wait3A_56 : memref<10000x128xf32, #tpu.memory_space<hbm>>) dst(%arg13 : memref<128x128xf32, #tpu.memory_space<vmem>>)
      %dma_start3A_57 = arith.constant 0 : i32
      %dma_start3A_58 = arith.constant 0 : i32
      %dma_start3A_59 = tpu.memref_slice %arg6[%dma_start3A_57, %dma_start3A_58] : memref<10016x128xf32, #tpu.memory_space<vmem_shared>> -> memref<10016x128xf32, #tpu.memory_space<vmem_shared>>
      tpu.enqueue_indirect_dma source(%arg13 : memref<128x128xf32, #tpu.memory_space<vmem>>) target(%dma_start3A_59 : memref<10016x128xf32, #tpu.memory_space<vmem_shared>>) offsets(%arg10 : memref<128xi32, #tpu.memory_space<vmem>>) semaphore(%arg19 : memref<!tpu.dma_semaphore, #tpu.memory_space<semaphore_mem>>) {add = true}
      %dma_wait3A_60 = arith.constant 0 : i32
      %dma_wait3A_61 = arith.constant 0 : i32
      %dma_wait3A_62 = tpu.memref_slice %arg2[%arg0, %dma_wait3A_60, %dma_wait3A_61] : memref<2x10000x128xf32, #tpu.memory_space<hbm>> -> memref<1x10000x128xf32, #tpu.memory_space<hbm>>
      %dma_wait3A_63 = tpu.memref_squeeze %dma_wait3A_62 : memref<1x10000x128xf32, #tpu.memory_space<hbm>> -> memref<10000x128xf32, #tpu.memory_space<hbm>>
      %dma_wait3A_64 = arith.constant 0 : i32
      %dma_wait3A_65 = arith.constant 0 : i32
      %dma_wait3A_66 = tpu.memref_slice %dma_wait3A_63[%dma_wait3A_64, %dma_wait3A_65] : memref<10000x128xf32, #tpu.memory_space<hbm>> -> memref<10000x128xf32, #tpu.memory_space<hbm>>
      tpu.wait_indirect_dma semaphore(%arg17 : memref<!tpu.dma_semaphore, #tpu.memory_space<semaphore_mem>>) src(%dma_wait3A_66 : memref<10000x128xf32, #tpu.memory_space<hbm>>) dst(%arg14 : memref<128x128xf32, #tpu.memory_space<vmem>>)
      %dma_start3A_67 = arith.constant 0 : i32
      %dma_start3A_68 = arith.constant 0 : i32
      %dma_start3A_69 = tpu.memref_slice %arg6[%dma_start3A_67, %dma_start3A_68] : memref<10016x128xf32, #tpu.memory_space<vmem_shared>> -> memref<10016x128xf32, #tpu.memory_space<vmem_shared>>
      tpu.enqueue_indirect_dma source(%arg14 : memref<128x128xf32, #tpu.memory_space<vmem>>) target(%dma_start3A_69 : memref<10016x128xf32, #tpu.memory_space<vmem_shared>>) offsets(%arg11 : memref<128xi32, #tpu.memory_space<vmem>>) semaphore(%arg20 : memref<!tpu.dma_semaphore, #tpu.memory_space<semaphore_mem>>) {add = true}
      %dma_wait3A_70 = arith.constant 0 : i32
      %dma_wait3A_71 = arith.constant 0 : i32
      %dma_wait3A_72 = tpu.memref_slice %arg2[%arg0, %dma_wait3A_70, %dma_wait3A_71] : memref<2x10000x128xf32, #tpu.memory_space<hbm>> -> memref<1x10000x128xf32, #tpu.memory_space<hbm>>
      %dma_wait3A_73 = tpu.memref_squeeze %dma_wait3A_72 : memref<1x10000x128xf32, #tpu.memory_space<hbm>> -> memref<10000x128xf32, #tpu.memory_space<hbm>>
      %dma_wait3A_74 = arith.constant 0 : i32
      %dma_wait3A_75 = arith.constant 0 : i32
      %dma_wait3A_76 = tpu.memref_slice %dma_wait3A_73[%dma_wait3A_74, %dma_wait3A_75] : memref<10000x128xf32, #tpu.memory_space<hbm>> -> memref<10000x128xf32, #tpu.memory_space<hbm>>
      tpu.wait_indirect_dma semaphore(%arg18 : memref<!tpu.dma_semaphore, #tpu.memory_space<semaphore_mem>>) src(%dma_wait3A_76 : memref<10000x128xf32, #tpu.memory_space<hbm>>) dst(%arg15 : memref<128x128xf32, #tpu.memory_space<vmem>>)
      %dma_start3A_77 = arith.constant 0 : i32
      %dma_start3A_78 = arith.constant 0 : i32
      %dma_start3A_79 = tpu.memref_slice %arg6[%dma_start3A_77, %dma_start3A_78] : memref<10016x128xf32, #tpu.memory_space<vmem_shared>> -> memref<10016x128xf32, #tpu.memory_space<vmem_shared>>
      tpu.enqueue_indirect_dma source(%arg15 : memref<128x128xf32, #tpu.memory_space<vmem>>) target(%dma_start3A_79 : memref<10016x128xf32, #tpu.memory_space<vmem_shared>>) offsets(%arg12 : memref<128xi32, #tpu.memory_space<vmem>>) semaphore(%arg21 : memref<!tpu.dma_semaphore, #tpu.memory_space<semaphore_mem>>) {add = true}
      %dma_wait3A_80 = arith.constant 0 : i32
      %dma_wait3A_81 = arith.constant 0 : i32
      %dma_wait3A_82 = tpu.memref_slice %arg6[%dma_wait3A_80, %dma_wait3A_81] : memref<10016x128xf32, #tpu.memory_space<vmem_shared>> -> memref<10016x128xf32, #tpu.memory_space<vmem_shared>>
      tpu.wait_indirect_dma semaphore(%arg19 : memref<!tpu.dma_semaphore, #tpu.memory_space<semaphore_mem>>) src(%arg13 : memref<128x128xf32, #tpu.memory_space<vmem>>) dst(%dma_wait3A_82 : memref<10016x128xf32, #tpu.memory_space<vmem_shared>>)
      %dma_wait3A_83 = arith.constant 0 : i32
      %dma_wait3A_84 = arith.constant 0 : i32
      %dma_wait3A_85 = tpu.memref_slice %arg6[%dma_wait3A_83, %dma_wait3A_84] : memref<10016x128xf32, #tpu.memory_space<vmem_shared>> -> memref<10016x128xf32, #tpu.memory_space<vmem_shared>>
      tpu.wait_indirect_dma semaphore(%arg20 : memref<!tpu.dma_semaphore, #tpu.memory_space<semaphore_mem>>) src(%arg14 : memref<128x128xf32, #tpu.memory_space<vmem>>) dst(%dma_wait3A_85 : memref<10016x128xf32, #tpu.memory_space<vmem_shared>>)
      %dma_wait3A_86 = arith.constant 0 : i32
      %dma_wait3A_87 = arith.constant 0 : i32
      %dma_wait3A_88 = tpu.memref_slice %arg6[%dma_wait3A_86, %dma_wait3A_87] : memref<10016x128xf32, #tpu.memory_space<vmem_shared>> -> memref<10016x128xf32, #tpu.memory_space<vmem_shared>>
      tpu.wait_indirect_dma semaphore(%arg21 : memref<!tpu.dma_semaphore, #tpu.memory_space<semaphore_mem>>) src(%arg15 : memref<128x128xf32, #tpu.memory_space<vmem>>) dst(%dma_wait3A_88 : memref<10016x128xf32, #tpu.memory_space<vmem_shared>>)
    }
    %scan3A_9 = arith.constant 27 : i32
    %barrier3A_10 = arith.constant 0 : index
    tpu.barrier barrier_id(%barrier3A_10)
    "tpu.region"() ({
      %run_scoped3A = tpu.sem_alloc : memref<!tpu.dma_semaphore, #tpu.memory_space<semaphore_mem>>
      %dma_start3A = arith.constant 0 : i32
      %dma_start3A_16 = tpu.memref_slice %arg5[%arg0, %mul3A_0, %dma_start3A] : memref<2x10000x128xf32, #tpu.memory_space<hbm>> -> memref<1x624x128xf32, #tpu.memory_space<hbm>>
      %dma_start3A_17 = tpu.memref_squeeze %dma_start3A_16 : memref<1x624x128xf32, #tpu.memory_space<hbm>> -> memref<624x128xf32, #tpu.memory_space<hbm>>
      %dma_start3A_18 = arith.constant 0 : i32
      %dma_start3A_19 = tpu.memref_slice %arg6[%mul3A_0, %dma_start3A_18] : memref<10016x128xf32, #tpu.memory_space<vmem_shared>> -> memref<624x128xf32, #tpu.memory_space<vmem_shared>>
      tpu.enqueue_dma source(%dma_start3A_19 : memref<624x128xf32, #tpu.memory_space<vmem_shared>>) target(%dma_start3A_17 : memref<624x128xf32, #tpu.memory_space<hbm>>) target_semaphore(%run_scoped3A : memref<!tpu.dma_semaphore, #tpu.memory_space<semaphore_mem>>)
      %dma_wait3A = arith.constant 0 : i32
      %dma_wait3A_20 = tpu.memref_slice %arg5[%arg0, %mul3A_0, %dma_wait3A] : memref<2x10000x128xf32, #tpu.memory_space<hbm>> -> memref<1x624x128xf32, #tpu.memory_space<hbm>>
      %dma_wait3A_21 = tpu.memref_squeeze %dma_wait3A_20 : memref<1x624x128xf32, #tpu.memory_space<hbm>> -> memref<624x128xf32, #tpu.memory_space<hbm>>
      %dma_wait3A_22 = arith.constant 0 : i32
      %dma_wait3A_23 = tpu.memref_slice %arg6[%mul3A_0, %dma_wait3A_22] : memref<10016x128xf32, #tpu.memory_space<vmem_shared>> -> memref<624x128xf32, #tpu.memory_space<vmem_shared>>
      tpu.wait_dma2 semaphore(%run_scoped3A : memref<!tpu.dma_semaphore, #tpu.memory_space<semaphore_mem>>) src(%dma_wait3A_23 : memref<624x128xf32, #tpu.memory_space<vmem_shared>>) dst(%dma_wait3A_21 : memref<624x128xf32, #tpu.memory_space<hbm>>)
      tpu.yield
    }) : () -> ()
    %eq3A_11 = arith.constant 15 : i32
    %eq3A_12 = arith.cmpi eq, %arg1, %eq3A_11 : i32
    %convert_element_type3A_13 = arith.extui %eq3A_12 : i1 to i32
    %cond3A_14 = arith.constant 0 : i32
    %cond3A_15 = arith.cmpi ne, %convert_element_type3A_13, %cond3A_14 : i32
    scf.if %cond3A_15 {
      "tpu.region"() ({
        %run_scoped3A = tpu.sem_alloc : memref<!tpu.dma_semaphore, #tpu.memory_space<semaphore_mem>>
        %dma_start3A = arith.constant 9984 : i32
        %dma_start3A_16 = arith.constant 0 : i32
        %dma_start3A_17 = tpu.memref_slice %arg5[%arg0, %dma_start3A, %dma_start3A_16] : memref<2x10000x128xf32, #tpu.memory_space<hbm>> -> memref<1x16x128xf32, #tpu.memory_space<hbm>>
        %dma_start3A_18 = tpu.memref_squeeze %dma_start3A_17 : memref<1x16x128xf32, #tpu.memory_space<hbm>> -> memref<16x128xf32, #tpu.memory_space<hbm>>
        %dma_start3A_19 = arith.constant 9984 : i32
        %dma_start3A_20 = arith.constant 0 : i32
        %dma_start3A_21 = tpu.memref_slice %arg6[%dma_start3A_19, %dma_start3A_20] : memref<10016x128xf32, #tpu.memory_space<vmem_shared>> -> memref<16x128xf32, #tpu.memory_space<vmem_shared>>
        tpu.enqueue_dma source(%dma_start3A_21 : memref<16x128xf32, #tpu.memory_space<vmem_shared>>) target(%dma_start3A_18 : memref<16x128xf32, #tpu.memory_space<hbm>>) target_semaphore(%run_scoped3A : memref<!tpu.dma_semaphore, #tpu.memory_space<semaphore_mem>>)
        %dma_wait3A = arith.constant 9984 : i32
        %dma_wait3A_22 = arith.constant 0 : i32
        %dma_wait3A_23 = tpu.memref_slice %arg5[%arg0, %dma_wait3A, %dma_wait3A_22] : memref<2x10000x128xf32, #tpu.memory_space<hbm>> -> memref<1x16x128xf32, #tpu.memory_space<hbm>>
        %dma_wait3A_24 = tpu.memref_squeeze %dma_wait3A_23 : memref<1x16x128xf32, #tpu.memory_space<hbm>> -> memref<16x128xf32, #tpu.memory_space<hbm>>
        %dma_wait3A_25 = arith.constant 9984 : i32
        %dma_wait3A_26 = arith.constant 0 : i32
        %dma_wait3A_27 = tpu.memref_slice %arg6[%dma_wait3A_25, %dma_wait3A_26] : memref<10016x128xf32, #tpu.memory_space<vmem_shared>> -> memref<16x128xf32, #tpu.memory_space<vmem_shared>>
        tpu.wait_dma2 semaphore(%run_scoped3A : memref<!tpu.dma_semaphore, #tpu.memory_space<semaphore_mem>>) src(%dma_wait3A_27 : memref<16x128xf32, #tpu.memory_space<vmem_shared>>) dst(%dma_wait3A_24 : memref<16x128xf32, #tpu.memory_space<hbm>>)
        tpu.yield
      }) : () -> ()
    } else {
    }
    return
  }
}

</mosaic_0001>

<sc_bundles>
// kernel: _sc_aggregate.3.cloned.1.call-start
scs
__scs_entry_jumppad:
0x0: {  	(pc) =	sbr.rel $0x88, $3  }
0x1: {  	(tag) =	ssettag $0x0;
	lr =	simm.s32 $0x1  }
0x2: {  	[smem:$0x3F9E] =	sst lr;
	_ =	strace $0xD0000000  }
0x3: {  	_ = 	snop  }
0x4: {  	_ = 	snop  }
0x5: {  	_ = 	snop  }
0x6: {  	_ = 	snop  }
0x7: {  	_ = 	snop  }
__scs_overlays_trampoline_lowered:
0x8: {  	[smem:$0x3FAD] =	sst s0  }
0x9: {  	[smem:$0x3FAE] =	sst s1  }
0xa: {  	[smem:$0x3FAF] =	sst s2  }
0xb: {  	[smem:$0x3FB0] =	sst s3  }
0xc: {  	[smem:$0x3FB1] =	sst s4  }
0xd: {  	[smem:$0x3FB2] =	sst s5  }
0xe: {  	[smem:$0x3FB3] =	sst s6  }
0xf: {  	[smem:$0x3FB4] =	sst s7  }
0x10: {  	[smem:$0x3FB5] =	sst s8  }
0x11: {  	[smem:$0x3FB6] =	sst s9;
	s0 =	simm.s32 @!p0 $0x0  }
0x12: {  	s1 =	sld [smem:$0x3F9C];
	s0 =	simm.s32 @p0 $0x1  }
0x13: {  	[smem:$0x3FB7] =	sst s0;
	s0 =	simm.s32 @!p1 $0x0  }
0x14: {  	s2 =	sld [smem:$0x3F9B];
	s0 =	simm.s32 @p1 $0x1  }
0x15: {  	[smem:$0x3FB8] =	sst s0;
	s0 =	simm.s32 @!p2 $0x0  }
0x16: {  	s3 =	sld [smem:$0x3FDB];
	s0 =	simm.s32 @p2 $0x1  }
0x17: {  	s4 =	simm.s32 $0x1BF5;
	[smem:$0x3FBA] =	sst s0  }
0x18: {  	s0 =	sld [smem:$0x3F9D];
	_ =	swait.ge [sflag:s4], $0x0  }
0x19: {  	s7 =	sld [smem:$0x3F9E]  }
0x1a: {  	s8 =	sadd.s32 $0xFFFFE003, lr  }
0x1b: {  	s9 =	sadd.s32 $0xFFFFFEF7, lr;
	s5 =	simm.s32 $0xFFFFFFFF;
	p2 =	slt.u32 s8, $0xFFFFF086  }
0x1c: {  	p1 =	slt.u32 s9, $0xF7A;
	s5 =	simm.s32 @!p2 $0x0  }
0x1d: {  	s5 =	simm.s32 @p1 $0x1;
	p0 =	seq.s32 s7, s2  }
0x1e: {  	s7 =	smul.u32 @!p0 $0xF7A, s2;
	p2 =	seq.s32 @!p0 s5, $0x0  }
0x1f: {  	s9 =	smul.u32 $0xF7A, s1;
	s8 =	simm.s32 @!p0 $0x1BF5;
	p2 =	por !p2, p0  }
0x20: {  	[sflag:s8] =	ssyncset.s32 @!p0 $0xFFFFF086;
	s6 =	sadd.s32 @!p0 s3, s7;
	s7 =	simm.s32 @!p0 $0x108  }
0x21: {  	s3 =	sadd.s32 s3, s9;
	s6 =	sadd.s32 @!p0 $0x88, s6;
	s7 =	simm.s32 @p2 $0x1082  }
0x22: {  	[simem:s7], [sflag:s8] =	dma.local @!p0 [hbm:s6], $0xF7A  }
0x23: {  	s9 =	sor.u32 $0xD0000000, s2;
	s6 =	simm.s32 $0x108;
	_ =	swait.ge @!p0 [sflag:s8], $0x0  }
0x24: {  	s3 =	sadd.s32 $0x88, s3;
	s6 =	simm.s32 @!p1 $0x1082;
	[sflag:s4] =	ssyncset.s32 $0xFFFFF086  }
0x25: {  	[simem:s6], [sflag:s4] =	dma.local [hbm:s3], $0xF7A  }
0x26: {  	[smem:$0x3F9E] =	sst s1;
	(tag) =	ssettag s2;
	_ =	strace s9  }
0x27: {  	s1 =	sld [smem:$0x3FAE]  }
0x28: {  	s2 =	sld [smem:$0x3FAF]  }
0x29: {  	s4 =	sld [smem:$0x3FB1]  }
0x2a: {  	p0 =	seq.s32 s5, $0x0;
	s5 =	sld [smem:$0x3FB2]  }
0x2b: {  	s6 =	sld [smem:$0x3FB3]  }
0x2c: {  	s7 =	sld [smem:$0x3FB4]  }
0x2d: {  	s3 =	simm.s32 $0x108;
	s8 =	sld [smem:$0x3FB5]  }
0x2e: {  	s3 =	simm.s32 @!p0 $0x1082;
	s9 =	sld [smem:$0x3FB6]  }
0x2f: {  	lr =	sadd.s32 s0, s3;
	s0 =	sld [smem:$0x3FAD]  }
0x30: {  	s3 =	sld [smem:$0x3FB0]  }
0x31: {  	[smem:$0x3FB9] =	sst s10  }
0x32: {  	s10 =	sld [smem:$0x3FB7];
	_ =	sdelay $0x3  }
0x33: {  	p0 =	seq.s32 s10, $0x1;
	s10 =	sld [smem:$0x3FB9];
	_ =	sdelay $0x3  }
0x34: {  	[smem:$0x3FB9] =	sst s10  }
0x35: {  	s10 =	sld [smem:$0x3FB8];
	_ =	sdelay $0x3  }
0x36: {  	p1 =	seq.s32 s10, $0x1;
	s10 =	sld [smem:$0x3FB9];
	_ =	sdelay $0x3  }
0x37: {  	[smem:$0x3FB9] =	sst s10  }
0x38: {  	s10 =	sld [smem:$0x3FBA]  }
0x39: {  	_ = 	snop;
	(pc) =	sbr.ind lr, $3  }
0x3a: {  	_ = 	snop  }
0x3b: {  	_ = 	snop  }
0x3c: {  	p2 =	seq.s32 s10, $0x1;
	s10 =	sld [smem:$0x3FB9]  }
0x3d: {  	_ =	shalt  }
0x3e: {  	_ =	shalt  }
0x3f: {  	_ =	shalt  }
0x40: {  	_ =	shalt  }
0x41: {  	_ =	shalt  }
0x42: {  	_ =	shalt  }
0x43: {  	_ =	shalt  }
0x44: {  	_ =	shalt  }
0x45: {  	_ =	shalt  }
0x46: {  	_ =	shalt  }
0x47: {  	_ =	shalt  }
0x48: {  	_ =	shalt  }
0x49: {  	_ =	shalt  }
0x4a: {  	_ =	shalt  }
0x4b: {  	_ =	shalt  }
0x4c: {  	_ =	shalt  }
0x4d: {  	_ =	shalt  }
0x4e: {  	_ =	shalt  }
0x4f: {  	_ =	shalt  }
0x50: {  	_ =	shalt  }
0x51: {  	_ =	shalt  }
0x52: {  	_ =	shalt  }
0x53: {  	_ =	shalt  }
0x54: {  	_ =	shalt  }
0x55: {  	_ =	shalt  }
0x56: {  	_ =	shalt  }
0x57: {  	_ =	shalt  }
0x58: {  	_ =	shalt  }
0x59: {  	_ =	shalt  }
0x5a: {  	_ =	shalt  }
0x5b: {  	_ =	shalt  }
0x5c: {  	_ =	shalt  }
0x5d: {  	_ =	shalt  }
0x5e: {  	_ =	shalt  }
0x5f: {  	_ =	shalt  }
0x60: {  	_ =	shalt  }
0x61: {  	_ =	shalt  }
0x62: {  	_ =	shalt  }
0x63: {  	_ =	shalt  }
0x64: {  	_ =	shalt  }
0x65: {  	_ =	shalt  }
0x66: {  	_ =	shalt  }
0x67: {  	_ =	shalt  }
0x68: {  	_ =	shalt  }
0x69: {  	_ =	shalt  }
0x6a: {  	_ =	shalt  }
0x6b: {  	_ =	shalt  }
0x6c: {  	_ =	shalt  }
0x6d: {  	_ =	shalt  }
0x6e: {  	_ =	shalt  }
0x6f: {  	_ =	shalt  }
0x70: {  	_ =	shalt  }
0x71: {  	_ =	shalt  }
0x72: {  	_ =	shalt  }
0x73: {  	_ =	shalt  }
0x74: {  	_ =	shalt  }
0x75: {  	_ =	shalt  }
0x76: {  	_ =	shalt  }
0x77: {  	_ =	shalt  }
0x78: {  	_ =	shalt  }
0x79: {  	_ =	shalt  }
0x7a: {  	_ =	shalt  }
0x7b: {  	_ =	shalt  }
0x7c: {  	_ =	shalt  }
0x7d: {  	_ =	shalt  }
0x7e: {  	_ =	shalt  }
0x7f: {  	_ =	shalt  }
0x80: {  	_ =	shalt  }
0x81: {  	_ =	shalt  }
0x82: {  	_ =	shalt  }
0x83: {  	_ =	shalt  }
0x84: {  	_ =	shalt  }
0x85: {  	_ =	shalt  }
0x86: {  	_ =	shalt  }
0x87: {  	_ =	shalt  }
.Lfunc_end0:
.L_simem_size_0:
called_computation_lowered:
.L_overlay_start_0:
0x88: {  	s2 =	sld [smem:$0x3FD9]  }
0x89: {  	s3 =	sld [smem:$0x3FFE];
	_ =	sdelay $0x1  }
0x8a: {  	s1 =	srdreg.scid  }
0x8b: {  	s0 =	sand.u32 $0x1, s1  }
0x8c: {  	s18 =	sshll.u32 s0, $0xA;
	s2 =	sadd.s32 s3, s2  }
0x8d: {  	s2 =	sadd.s32 s2, s18  }
0x8e: {  	[smem:$0x3FC5] =	sst s2  }
0x8f: {  	_ = 	snop  }
0x90: {  	s2 =	sld [smem:$0x3FC9]  }
0x91: {  	s19 =	sld [smem:$0x3FC8]  }
0x92: {  	s4 =	sld [smem:$0x3FC7]  }
0x93: {  	s5 =	sld [smem:$0x3FD0];
	(tm) =	ssettm $0x1  }
0x94: {  	s6 =	sld [smem:$0x3FFB];
	_ =	sdelay $0x3  }
0x95: {  	_ =	strace s6  }
0x96: {  	s6 =	sld [smem:$0x3FFC];
	_ =	sdelay $0x3  }
0x97: {  	_ =	strace s6  }
0x98: {  	s6 =	sld [smem:$0x3FFD];
	_ =	sdelay $0x3  }
0x99: {  	_ =	strace s6  }
0x9a: {  	_ =	strace $0x8FFFFFFF  }
0x9b: {  	s20 =	sld [smem:$0x3FDB];
	_ =	sdelay $0x1  }
0x9c: {  	s7 =	simm.s32 $_scs_section_size  }
0x9d: {  	s8 =	simm.s32 $_size__tile_overlayer_lowered;
	s9 =	simm.s32 $_tile_overlayer_lowered  }
0x9e: {  	s23 =	simm.s32 $0x1BFF;
	s22 =	sshll.u32 s9, $0x1;
	s6 =	sadd.s32 s7, s20  }
0x9f: {  	s10 =	simm.s32 $0x0;
	s21 =	sshll.u32 s8, $0x1;
	s8 =	sadd.s32 s22, s6  }
0xa0: {  	[timem:s10], [sflag:s23] =	dma.local [hbm:s8], s21  }
0xa1: {  	_ =	swait.ge [sflag:s23], s21  }
0xa2: {  	s7 =	ssub.s32 $0x0, s21;
	[sflag:s23] =	ssyncset.done $0x0  }
0xa3: {  	[sflag:s23] =	ssyncadd.s32 s7;
	_ =	sdelay $0x1  }
0xa4: {  	s24 =	simm.s32 $0x1B8B  }
0xa5: {  	_ =	swait.ge [sflag:s24], $0x1  }
0xa6: {  	[sflag:s24] =	ssyncset.done $0x0  }
0xa7: {  	s25 =	simm.s32 $0x1B8E;
	[sflag:s24] =	ssyncadd.s32 $0xFFFFFFFF  }
0xa8: {  	s26 =	simm.s32 $execute0_lowered;
	[smem:$0x3FD2] =	sst s25  }
0xa9: {  	s7 =	sshll.u32 s26, $0x1;
	_ =	strace $0x80000046;
	[dreg:$0x1] =	wrdreg $0xFFFFFFFF  }
0xaa: {  	s28 =	simm.s32 $_size_execute0_lowered;
	s6 =	sadd.s32 s6, s7;
	[dreg:$0x0] =	wrdreg $0x0  }
0xab: {  	s7 =	sshll.u32 s28, $0x1;
	[dreg:$0x2] =	wrdreg s6  }
0xac: {  	[dreg:$0x3] =	wrdreg s7  }
0xad: {  	[dreg:$0x4] =	wrdreg $0xC0  }
0xae: {  	_ =	task [dreg:s10], $0x5FFFF  }
0xaf: {  	[dreg:$0x1] =	wrdreg $0xFFFFFFFF  }
0xb0: {  	[dreg:$0x0] =	wrdreg $0x60  }
0xb1: {  	[dreg:$0x2] =	wrdreg s2  }
0xb2: {  	[dreg:$0x3] =	wrdreg s19  }
0xb3: {  	[dreg:$0x4] =	wrdreg s4  }
0xb4: {  	[dreg:$0x5] =	wrdreg s5  }
0xb5: {  	[dreg:$0x6] =	wrdreg $0x0  }
0xb6: {  	[dreg:$0x7] =	wrdreg $0x9  }
0xb7: {  	_ =	task.clear_ibuf [dreg:s10], $0x8FFFF;
	_ =	strace $0x90000046  }
0xb8: {  	s29 =	simm.s32 $0x9;
	_ =	strace $0x80000048  }
0xb9: {  	_ =	swait.ge [sflag:s29], $0x1  }
0xba: {  	[sflag:s29] =	ssyncadd.s32 $0xFFFFFFFF  }
0xbb: {  	_ =	strace $0x90000048  }
0xbc: {  	_ =	sfence  }
0xbd: {  	s30 =	sld [smem:$0x0];
	_ =	sdelay $0x2  }
0xbe: {  	s31 =	sshll.u32 s1, $0xD;
	s1 =	sshrl.u32 s1, $0x2  }
0xbf: {  	s3 =	sand.u32 $0x4000, s31;
	s1 =	sadd.s32 s1, s30  }
0xc0: {  	s0 =	sor.u32 s3, s0;
	s1 =	sshll.u32 s1, $0x11  }
0xc1: {  	s0 =	sor.u32 s1, s0  }
0xc2: {  	s0 =	sadd.s32 $0x8F2B, s0  }
0xc3: {  	[sflag:s0] =	ssyncadd.remote.s32 $0x1  }
0xc4: {  	_ =	sfence.sel $0xFFFF  }
0xc5: {  	[dreg:$0x0] =	wrdreg $0xFFFFFFFF;
	(pc) =	sbr.abs _section_cstart, $3  }
0xc6: {  	[dreg:$0x1] =	wrdreg $0xFFFFFFFF  }
0xc7: {  	_ =	task.clear_ibuf [dreg:s10], $0x2FFFF;
	_ =	strace $0x9FFFFFFF  }
0xc8: {  	(tm) =	ssettm $0x7FFFFFFF  }
0xc9: {  	_ =	shalt  }
tec
execute0_lowered:
.L_overlay_start_1:
0x0: {  	(tag) =	ssettag $0x1  }
0x1: {  	s0 =	rddreg [dreg:$0x0]  }
0x2: {  	s1 =	rddreg [dreg:$0x1]  }
0x3: {  	s4 =	rddreg [dreg:$0x2]  }
0x4: {  	s6 =	rddreg [dreg:$0x3];
	s3 =	srdreg.scid  }
0x5: {  	s14 =	stileid.u32;
	s2 =	rddreg [dreg:$0x4]  }
0x6: {  	s16 =	simm.s32 $0x13900;
	s17 =	simm.s32 $0x13A80;
	s18 =	simm.s32 $0x80  }
0x7: {  	s28 =	simm.s32 $0x2;
	s29 =	simm.s32 $0x3;
	s30 =	simm.s32 $0x4  }
0x8: {  	s31 =	simm.s32 $0x5;
	s5 =	sand.u32 $0x1, s3;
	s7 =	smul.u32 $0x4E000, s14  }
0x9: {  	s3 =	simm.s32 $0x0;
	s9 =	smul.u32 $0x13800, s14;
	s20 =	sshll.u32 s14, $0x6  }
0xa: {  	s15 =	sadd.s32 $0x138000, s2;
	s12 =	smul.u32 $0x510, s14;
	p0 =	sne.s32 s14, $0xF  }
0xb: {  	s14 =	simm.s32 $0x7;
	s8 =	smul.u32 $0x138800, s5;
	s5 =	ssub.s32 $0x2, s5  }
0xc: {  	[smem:$0x7FF] =	sst s3;
	s15 =	sshrl.u32 @!p0 s15, $0x3;
	s10 =	sshrl.u32 s5, $0x1  }
0xd: {  	_ =	strace $0x80000047;
	s7 =	sshrl.u32 s7, $0x2;
	s10 =	ssub.s32 s5, s10  }
0xe: {  	s13 =	sadd.s32 s7, s2;
	s19 =	sadd.s32 s9, s8;
	s21 =	sshrl.u32 s8, $0x3  }
0xf: {  	s5 =	sor.u32 $0x1C07, s20;
	s20 =	simm.s32 $0x13980;
	s9 =	sshrl.u32 s19, $0x3  }
0x10: {  	s23 =	sadd.s32 $0x27000, s21;
	s7 =	sadd.s32 s0, s21;
	s26 =	smax.u32 s10, $0x1  }
0x11: {  	s13 =	sshrl.u32 s13, $0x3;
	s22 =	sadd.s32 s0, s9;
	[dreg:$0xa] =	wrdreg s26  }
0x12: {  	s19 =	simm.s32 $0x13C00;
	s11 =	sadd.s32 s0, s23;
	[dreg:$0x6] =	wrdreg s22  }
0x13: {  	s21 =	simm.s32 $0x13B00;
	s24 =	sadd.s32 s6, s9;
	[dreg:$0x7] =	wrdreg s11  }
0x14: {  	s25 =	sadd.s32 s6, s23;
	s23 =	simm.s32 $0x13A00;
	[dreg:$0x8] =	wrdreg s24  }
0x15: {  	s26 =	simm.s32 $0x1;
	s0 =	simm.s32 $0x0;
	[dreg:$0x9] =	wrdreg s25  }
0x16: {  	s11 =	sadd.s32 s12, s4;
	s12 =	sadd.s32 s12, s1;
	s22 =	simm.s32 $0x17C00  }
0x17: {  	s24 =	simm.s32 $0x13B80;
	s25 =	simm.s32 $0x1BC00;
	s1 =	simm.s32 $0x6  }
.LBB2_1:
0x18: {  	s4 =	rddreg [dreg:$0x6]  }
0x19: {  	[spmem:s13], [sflag:s5] =	dma.local [hbm:s4], $0x2700  }
0x1a: {  	_ =	swait.ge [sflag:s14], $0x2700  }
0x1b: {  	[sflag:s14] =	ssyncset.done $0x0  }
0x1c: {  	s4 =	rddreg [dreg:$0x7];
	[sflag:s14] =	ssyncadd.s32 $0xFFFFD900  }
0x1d: {  	[spmem:s15], [sflag:s5] =	dma.local @!p0 [hbm:s4], $0x100  }
0x1e: {  	s4 =	simm.s32 @!p0 $0x7  }
0x1f: {  	_ =	swait.ge @!p0 [sflag:s4], $0x100  }
0x20: {  	[sflag:s4] =	ssyncset.done @!p0 $0x0  }
0x21: {  	[sflag:s4] =	ssyncadd.s32 @!p0 $0xFFFFFF00  }
0x22: {  	s10 =	sadd.s32 $0x0, s12;
	[bflag:$0x0] =	sbarrier.arrive $0xFFFF  }
0x23: {  	[tilespmem:s16], [sflag:$0x7] =	stream.linear.gather [hbm4b:s10+s3], $0x80, $0x38;
	[tilespmem:$0x1FC00] =	vst v63  }
0x24: {  	_ =	swait.ge [sflag:s14], $0x80  }
0x25: {  	[sflag:s14] =	ssyncset.done $0x0  }
0x26: {  	s6 =	sadd.s32 $0x0, s11;
	[sflag:s14] =	ssyncadd.s32 $0xFFFFFF80  }
0x27: {  	[tilespmem:s17], [sflag:$0x7] =	stream.linear.gather [hbm4b:s6+s3], $0x80, $0x38;
	[tilespmem:$0x1FC00] =	vst v63  }
0x28: {  	_ =	swait.ge [sflag:s14], $0x80  }
0x29: {  	[sflag:s14] =	ssyncset.done $0x0  }
0x2a: {  	[sflag:s14] =	ssyncadd.s32 $0xFFFFFF80  }
0x2b: {  	[tilespmem:s19], [sflag:$0x1] =	stream.indirect.gather [hbm4b:s7+s18], $0x80, s16, s18, $0xb8;
	[tilespmem:$0x1FC00] =	vst v63  }
0x2c: {  	s8 =	sadd.s32 $0x10, s10  }
0x2d: {  	[tilespmem:s20], [sflag:$0x7] =	stream.linear.gather [hbm4b:s8+s3], $0x80, $0x38;
	[tilespmem:$0x1FC00] =	vst v63  }
0x2e: {  	_ =	swait.ge [sflag:s14], $0x80  }
0x2f: {  	[sflag:s14] =	ssyncset.done $0x0  }
0x30: {  	s9 =	sadd.s32 $0x10, s6;
	[sflag:s14] =	ssyncadd.s32 $0xFFFFFF80  }
0x31: {  	[tilespmem:s21], [sflag:$0x7] =	stream.linear.gather [hbm4b:s9+s3], $0x80, $0x38;
	[tilespmem:$0x1FC00] =	vst v63  }
0x32: {  	_ =	swait.ge [sflag:s14], $0x80  }
0x33: {  	[sflag:s14] =	ssyncset.done $0x0  }
0x34: {  	[sflag:s14] =	ssyncadd.s32 $0xFFFFFF80  }
0x35: {  	[tilespmem:s22], [sflag:$0x2] =	stream.indirect.gather [hbm4b:s7+s18], $0x80, s20, s18, $0xb8;
	[tilespmem:$0x1FC00] =	vst v63  }
0x36: {  	s4 =	sadd.s32 $0x20, s10  }
0x37: {  	[tilespmem:s23], [sflag:$0x7] =	stream.linear.gather [hbm4b:s4+s3], $0x80, $0x38;
	[tilespmem:$0x1FC00] =	vst v63  }
0x38: {  	_ =	swait.ge [sflag:s14], $0x80  }
0x39: {  	[sflag:s14] =	ssyncset.done $0x0  }
0x3a: {  	s10 =	sadd.s32 $0x20, s6;
	[sflag:s14] =	ssyncadd.s32 $0xFFFFFF80  }
0x3b: {  	[tilespmem:s24], [sflag:$0x7] =	stream.linear.gather [hbm4b:s10+s3], $0x80, $0x38;
	[tilespmem:$0x1FC00] =	vst v63  }
0x3c: {  	_ =	swait.ge [sflag:s14], $0x80  }
0x3d: {  	[sflag:s14] =	ssyncset.done $0x0  }
0x3e: {  	[sflag:s14] =	ssyncadd.s32 $0xFFFFFF80  }
0x3f: {  	[tilespmem:s25], [sflag:$0x3] =	stream.indirect.gather [hbm4b:s7+s18], $0x80, s23, s18, $0xb8;
	[tilespmem:$0x1FC00] =	vst v63  }
0x40: {  	_ =	swait.ge [sflag:s26], $0x4000  }
0x41: {  	[sflag:s26] =	ssyncset.done $0x0  }
0x42: {  	[sflag:s26] =	ssyncadd.s32 $0xFFFFC000  }
0x43: {  	[spmem:s2] =	stream.indirect.scatter.add.f32 [tilespmem:s19], [sflag:$0x4], $0x80, s17, s18, $0xb8;
	[tilespmem:$0x1FC00] =	vst v63  }
0x44: {  	_ =	swait.ge [sflag:s28], $0x4000  }
0x45: {  	[sflag:s28] =	ssyncset.done $0x0  }
0x46: {  	[sflag:s28] =	ssyncadd.s32 $0xFFFFC000  }
0x47: {  	[spmem:s2] =	stream.indirect.scatter.add.f32 [tilespmem:s22], [sflag:$0x5], $0x80, s21, s18, $0xb8;
	[tilespmem:$0x1FC00] =	vst v63  }
0x48: {  	_ =	swait.ge [sflag:s29], $0x4000  }
0x49: {  	[sflag:s29] =	ssyncset.done $0x0  }
0x4a: {  	[sflag:s29] =	ssyncadd.s32 $0xFFFFC000  }
0x4b: {  	[spmem:s2] =	stream.indirect.scatter.add.f32 [tilespmem:s25], [sflag:$0x6], $0x80, s24, s18, $0xb8;
	[tilespmem:$0x1FC00] =	vst v63  }
0x4c: {  	_ =	swait.ge [sflag:s30], $0x4000  }
0x4d: {  	[sflag:s30] =	ssyncset.done $0x0  }
0x4e: {  	[sflag:s30] =	ssyncadd.s32 $0xFFFFC000  }
0x4f: {  	_ =	swait.ge [sflag:s31], $0x4000  }
0x50: {  	[sflag:s31] =	ssyncset.done $0x0  }
0x51: {  	[sflag:s31] =	ssyncadd.s32 $0xFFFFC000  }
0x52: {  	_ =	swait.ge [sflag:s1], $0x4000  }
0x53: {  	s6 =	simm.s32 $0x60;
	s4 =	simm.s32 $0x30;
	[sflag:s1] =	ssyncset.done $0x0  }
.LBB2_2:
0x54: {  	s9 =	sadd.s32 s4, s12  }
0x55: {  	[sflag:s1] =	ssyncadd.s32 $0xFFFFC000;
	s10 =	smov.u32 s6;
	s8 =	sadd.s32 $0x30, s6  }
0x56: {  	[tilespmem:s16], [sflag:$0x7] =	stream.linear.gather [hbm4b:s9+s3], $0x80, $0x38;
	[tilespmem:$0x1FC00] =	vst v63  }
0x57: {  	p1 =	sne.s32 s6, $0x4E0;
	_ =	swait.ge [sflag:s14], $0x80  }
0x58: {  	[sflag:s14] =	ssyncset.done $0x0  }
0x59: {  	s6 =	sadd.s32 s4, s11;
	s4 =	smov.u32 s10;
	[sflag:s14] =	ssyncadd.s32 $0xFFFFFF80  }
0x5a: {  	[tilespmem:s17], [sflag:$0x7] =	stream.linear.gather [hbm4b:s6+s3], $0x80, $0x38;
	[tilespmem:$0x1FC00] =	vst v63  }
0x5b: {  	_ =	swait.ge [sflag:s14], $0x80  }
0x5c: {  	[sflag:s14] =	ssyncset.done $0x0  }
0x5d: {  	[sflag:s14] =	ssyncadd.s32 $0xFFFFFF80  }
0x5e: {  	[tilespmem:s19], [sflag:$0x1] =	stream.indirect.gather [hbm4b:s7+s18], $0x80, s16, s18, $0xb8;
	[tilespmem:$0x1FC00] =	vst v63  }
0x5f: {  	s10 =	sadd.s32 $0x10, s9  }
0x60: {  	[tilespmem:s20], [sflag:$0x7] =	stream.linear.gather [hbm4b:s10+s3], $0x80, $0x38;
	[tilespmem:$0x1FC00] =	vst v63  }
0x61: {  	_ =	swait.ge [sflag:s14], $0x80  }
0x62: {  	[sflag:s14] =	ssyncset.done $0x0  }
0x63: {  	s10 =	sadd.s32 $0x10, s6;
	[sflag:s14] =	ssyncadd.s32 $0xFFFFFF80  }
0x64: {  	[tilespmem:s21], [sflag:$0x7] =	stream.linear.gather [hbm4b:s10+s3], $0x80, $0x38;
	[tilespmem:$0x1FC00] =	vst v63  }
0x65: {  	_ =	swait.ge [sflag:s14], $0x80  }
0x66: {  	[sflag:s14] =	ssyncset.done $0x0  }
0x67: {  	[sflag:s14] =	ssyncadd.s32 $0xFFFFFF80  }
0x68: {  	[tilespmem:s22], [sflag:$0x2] =	stream.indirect.gather [hbm4b:s7+s18], $0x80, s20, s18, $0xb8;
	[tilespmem:$0x1FC00] =	vst v63  }
0x69: {  	s9 =	sadd.s32 $0x20, s9  }
0x6a: {  	[tilespmem:s23], [sflag:$0x7] =	stream.linear.gather [hbm4b:s9+s3], $0x80, $0x38;
	[tilespmem:$0x1FC00] =	vst v63  }
0x6b: {  	_ =	swait.ge [sflag:s14], $0x80  }
0x6c: {  	[sflag:s14] =	ssyncset.done $0x0  }
0x6d: {  	s6 =	sadd.s32 $0x20, s6;
	[sflag:s14] =	ssyncadd.s32 $0xFFFFFF80  }
0x6e: {  	[tilespmem:s24], [sflag:$0x7] =	stream.linear.gather [hbm4b:s6+s3], $0x80, $0x38;
	[tilespmem:$0x1FC00] =	vst v63  }
0x6f: {  	_ =	swait.ge [sflag:s14], $0x80  }
0x70: {  	[sflag:s14] =	ssyncset.done $0x0  }
0x71: {  	[sflag:s14] =	ssyncadd.s32 $0xFFFFFF80  }
0x72: {  	[tilespmem:s25], [sflag:$0x3] =	stream.indirect.gather [hbm4b:s7+s18], $0x80, s23, s18, $0xb8;
	[tilespmem:$0x1FC00] =	vst v63  }
0x73: {  	_ =	swait.ge [sflag:s26], $0x4000  }
0x74: {  	[sflag:s26] =	ssyncset.done $0x0  }
0x75: {  	[sflag:s26] =	ssyncadd.s32 $0xFFFFC000  }
0x76: {  	[spmem:s2] =	stream.indirect.scatter.add.f32 [tilespmem:s19], [sflag:$0x4], $0x80, s17, s18, $0xb8;
	[tilespmem:$0x1FC00] =	vst v63  }
0x77: {  	_ =	swait.ge [sflag:s28], $0x4000  }
0x78: {  	[sflag:s28] =	ssyncset.done $0x0  }
0x79: {  	[sflag:s28] =	ssyncadd.s32 $0xFFFFC000  }
0x7a: {  	[spmem:s2] =	stream.indirect.scatter.add.f32 [tilespmem:s22], [sflag:$0x5], $0x80, s21, s18, $0xb8;
	[tilespmem:$0x1FC00] =	vst v63  }
0x7b: {  	_ =	swait.ge [sflag:s29], $0x4000  }
0x7c: {  	[sflag:s29] =	ssyncset.done $0x0  }
0x7d: {  	[sflag:s29] =	ssyncadd.s32 $0xFFFFC000  }
0x7e: {  	[spmem:s2] =	stream.indirect.scatter.add.f32 [tilespmem:s25], [sflag:$0x6], $0x80, s24, s18, $0xb8;
	[tilespmem:$0x1FC00] =	vst v63  }
0x7f: {  	_ =	swait.ge [sflag:s30], $0x4000  }
0x80: {  	[sflag:s30] =	ssyncset.done $0x0  }
0x81: {  	[sflag:s30] =	ssyncadd.s32 $0xFFFFC000  }
.Ltmp0:
0x82: {  	_ =	swait.ge [sflag:s31], $0x4000;
	(pc) =	sbr.rel @p1 .LBB2_2-.Ltmp0, $4  }
0x83: {  	[sflag:s31] =	ssyncset.done $0x0  }
0x84: {  	[sflag:s31] =	ssyncadd.s32 $0xFFFFC000  }
0x85: {  	_ =	swait.ge [sflag:s1], $0x4000  }
0x86: {  	s6 =	smov.u32 s8;
	[sflag:s1] =	ssyncset.done $0x0  }
0x87: {  	s6 =	sadd.s32 s4, s12;
	[sflag:s1] =	ssyncadd.s32 $0xFFFFC000  }
0x88: {  	[tilespmem:s16], [sflag:$0x7] =	stream.linear.gather [hbm4b:s6+s3], $0x80, $0x38;
	[tilespmem:$0x1FC00] =	vst v63  }
0x89: {  	_ =	swait.ge [sflag:s14], $0x80  }
0x8a: {  	[sflag:s14] =	ssyncset.done $0x0  }
0x8b: {  	s9 =	sadd.s32 s4, s11;
	[sflag:s14] =	ssyncadd.s32 $0xFFFFFF80  }
0x8c: {  	[tilespmem:s17], [sflag:$0x7] =	stream.linear.gather [hbm4b:s9+s3], $0x80, $0x38;
	[tilespmem:$0x1FC00] =	vst v63  }
0x8d: {  	_ =	swait.ge [sflag:s14], $0x80  }
0x8e: {  	[sflag:s14] =	ssyncset.done $0x0  }
0x8f: {  	[sflag:s14] =	ssyncadd.s32 $0xFFFFFF80  }
0x90: {  	[tilespmem:s19], [sflag:$0x1] =	stream.indirect.gather [hbm4b:s7+s18], $0x80, s16, s18, $0xb8;
	[tilespmem:$0x1FC00] =	vst v63  }
0x91: {  	s8 =	sadd.s32 $0x10, s6  }
0x92: {  	[tilespmem:s20], [sflag:$0x7] =	stream.linear.gather [hbm4b:s8+s3], $0x80, $0x38;
	[tilespmem:$0x1FC00] =	vst v63  }
0x93: {  	_ =	swait.ge [sflag:s14], $0x80  }
0x94: {  	[sflag:s14] =	ssyncset.done $0x0  }
0x95: {  	s10 =	sadd.s32 $0x10, s9;
	[sflag:s14] =	ssyncadd.s32 $0xFFFFFF80  }
0x96: {  	[tilespmem:s21], [sflag:$0x7] =	stream.linear.gather [hbm4b:s10+s3], $0x80, $0x38;
	[tilespmem:$0x1FC00] =	vst v63  }
0x97: {  	_ =	swait.ge [sflag:s14], $0x80  }
0x98: {  	[sflag:s14] =	ssyncset.done $0x0  }
0x99: {  	[sflag:s14] =	ssyncadd.s32 $0xFFFFFF80  }
0x9a: {  	[tilespmem:s22], [sflag:$0x2] =	stream.indirect.gather [hbm4b:s7+s18], $0x80, s20, s18, $0xb8;
	[tilespmem:$0x1FC00] =	vst v63  }
0x9b: {  	s6 =	sadd.s32 $0x20, s6  }
0x9c: {  	[tilespmem:s23], [sflag:$0x7] =	stream.linear.gather [hbm4b:s6+s3], $0x80, $0x38;
	[tilespmem:$0x1FC00] =	vst v63  }
0x9d: {  	_ =	swait.ge [sflag:s14], $0x80  }
0x9e: {  	[sflag:s14] =	ssyncset.done $0x0  }
0x9f: {  	s4 =	sadd.s32 $0x20, s9;
	[sflag:s14] =	ssyncadd.s32 $0xFFFFFF80  }
0xa0: {  	[tilespmem:s24], [sflag:$0x7] =	stream.linear.gather [hbm4b:s4+s3], $0x80, $0x38;
	[tilespmem:$0x1FC00] =	vst v63  }
0xa1: {  	_ =	swait.ge [sflag:s14], $0x80  }
0xa2: {  	[sflag:s14] =	ssyncset.done $0x0  }
0xa3: {  	[sflag:s14] =	ssyncadd.s32 $0xFFFFFF80  }
0xa4: {  	[tilespmem:s25], [sflag:$0x3] =	stream.indirect.gather [hbm4b:s7+s18], $0x80, s23, s18, $0xb8;
	[tilespmem:$0x1FC00] =	vst v63  }
0xa5: {  	_ =	swait.ge [sflag:s26], $0x4000  }
0xa6: {  	[sflag:s26] =	ssyncset.done $0x0  }
0xa7: {  	[sflag:s26] =	ssyncadd.s32 $0xFFFFC000  }
0xa8: {  	[spmem:s2] =	stream.indirect.scatter.add.f32 [tilespmem:s19], [sflag:$0x4], $0x80, s17, s18, $0xb8;
	[tilespmem:$0x1FC00] =	vst v63  }
0xa9: {  	_ =	swait.ge [sflag:s28], $0x4000  }
0xaa: {  	[sflag:s28] =	ssyncset.done $0x0  }
0xab: {  	[sflag:s28] =	ssyncadd.s32 $0xFFFFC000  }
0xac: {  	[spmem:s2] =	stream.indirect.scatter.add.f32 [tilespmem:s22], [sflag:$0x5], $0x80, s21, s18, $0xb8;
	[tilespmem:$0x1FC00] =	vst v63  }
0xad: {  	_ =	swait.ge [sflag:s29], $0x4000  }
0xae: {  	[sflag:s29] =	ssyncset.done $0x0  }
0xaf: {  	[sflag:s29] =	ssyncadd.s32 $0xFFFFC000  }
0xb0: {  	[spmem:s2] =	stream.indirect.scatter.add.f32 [tilespmem:s25], [sflag:$0x6], $0x80, s24, s18, $0xb8;
	[tilespmem:$0x1FC00] =	vst v63  }
0xb1: {  	_ =	swait.ge [sflag:s30], $0x4000  }
0xb2: {  	[sflag:s30] =	ssyncset.done $0x0  }
0xb3: {  	[sflag:s30] =	ssyncadd.s32 $0xFFFFC000  }
0xb4: {  	_ =	swait.ge [sflag:s31], $0x4000  }
0xb5: {  	[sflag:s31] =	ssyncset.done $0x0  }
0xb6: {  	[sflag:s31] =	ssyncadd.s32 $0xFFFFC000  }
0xb7: {  	_ =	swait.ge [sflag:s1], $0x4000  }
0xb8: {  	[sflag:s1] =	ssyncset.done $0x0  }
0xb9: {  	[sflag:s1] =	ssyncadd.s32 $0xFFFFC000  }
0xba: {  	[bflag:$0x0] =	sbarrier.arrive $0xFFFF  }
0xbb: {  	s9 =	rddreg [dreg:$0x8]  }
0xbc: {  	[hbm:s9], [sflag:s5] =	dma.local [spmem:s13], $0x2700  }
0xbd: {  	_ =	swait.ge [sflag:s14], $0x2700  }
0xbe: {  	[sflag:s14] =	ssyncset.done $0x0  }
0xbf: {  	s4 =	rddreg [dreg:$0x9];
	[sflag:s14] =	ssyncadd.s32 $0xFFFFD900  }
0xc0: {  	[hbm:s4], [sflag:s5] =	dma.local @!p0 [spmem:s15], $0x100  }
0xc1: {  	s4 =	simm.s32 @!p0 $0x7  }
0xc2: {  	_ =	swait.ge @!p0 [sflag:s4], $0x100  }
0xc3: {  	s0 =	sadd.s32 $0x1, s0;
	s10 =	rddreg [dreg:$0xa]  }
0xc4: {  	p1 =	sne.s32 s0, s10  }
.Ltmp1:
0xc5: {  	_ = 	snop;
	(pc) =	sbr.rel @p1 .LBB2_1-.Ltmp1, $3  }
0xc6: {  	_ =	sdelay $0x1  }
0xc7: {  	[sflag:s4] =	ssyncset.done @!p0 $0x0  }
0xc8: {  	[sflag:s4] =	ssyncadd.s32 @!p0 $0xFFFFFF00  }
0xc9: {  	_ =	sfence.sel $0x180000  }
0xca: {  	[bflag:$0x0] =	sbarrier.arrive $0xFFFF  }
0xcb: {  	_ =	strace $0x90000047  }
0xcc: {  	s0 =	stileid.u32;
	[bflag:$0x2] =	sbarrier.arrive $0xFFFF  }
0xcd: {  	p0 =	sne.s32 s0, $0x0;
	s0 =	rddreg [dreg:$0x5]  }
0xce: {  	s0 =	sadd.s32 @!p0 $0x100000, s0  }
0xcf: {  	[sflag:s0] =	ssyncadd.tile.s32 @!p0 $0x1;
	_ =	shalt  }
.Lfunc_end2:
_tile_overlayer_lowered:
.L_overlay_start_2:
0xd0: {  	(tag) =	ssettag $0x2  }
0xd1: {  	s0 =	rddreg [dreg:$0x0];
	s2 =	stileid.u32  }
0xd2: {  	s1 =	rddreg [dreg:$0x1];
	p0 =	sne.s32 s2, $0x0  }
0xd3: {  	s3 =	rddreg [dreg:$0x2];
	[bflag:$0x3] =	sbarrier.arrive $0xFFFF;
	s2 =	simm.s32 @!p0 $0x1C07  }
0xd4: {  	[timem:s3], [sflag:s2] =	dma.local @!p0 [hbm:s0], s1  }
0xd5: {  	s0 =	simm.s32 @!p0 $0x7  }
0xd6: {  	_ =	swait.ge @!p0 [sflag:s0], s1  }
0xd7: {  	s1 =	ssub.s32 @!p0 $0x0, s1;
	[sflag:s0] =	ssyncset.done @!p0 $0x0  }
0xd8: {  	[sflag:s0] =	ssyncadd.s32 @!p0 s1  }
0xd9: {  	[bflag:$0x3] =	sbarrier.arrive $0xFFFF  }
0xda: {  	_ =	shalt  }

</sc_bundles>
